<compile_context>
chip_gen: v7x
topology: tpu7x:2x2x1
jax: 0.10.2.dev20260603
libtpu: 0.0.44.dev20260713+nightly
codegen_flags: <defaults>
</compile_context>

<pallas_src>
import functools

import jax
import jax.numpy as jnp
from jax import lax
from jax.experimental import pallas as pl
from jax.experimental.pallas import tpu as pltpu
from jax.experimental.pallas import tpu_sc as plsc

B = 16384
D_ID = 128
D_FEAT = 64
D_OUT = 128
USER_IN = D_ID + D_FEAT
ITEM_IN = D_ID + 2 * D_FEAT
U_VOC = 256
I_VOC = 128
BT = 2048
NW = 32
BPW = B // NW



CHUNK = BPW // 2


def _sc_gather_body(uid_idx, uid_tab, o_uid, idx_u, buf_a, buf_b,
                    sem_a, sem_b):
    wid = lax.axis_index("s") * 2 + lax.axis_index("c")
    base = wid * BPW

    pltpu.sync_copy(uid_idx.at[pl.ds(base, BPW)], idx_u)
    g0 = pltpu.async_copy(uid_tab.at[idx_u.at[pl.ds(0, CHUNK)]], buf_a, sem_a)
    g1 = pltpu.async_copy(uid_tab.at[idx_u.at[pl.ds(CHUNK, CHUNK)]], buf_b,
                          sem_b)
    g0.wait()
    pltpu.sync_copy(buf_a, o_uid.at[pl.ds(base, CHUNK)])
    g1.wait()
    pltpu.sync_copy(buf_b, o_uid.at[pl.ds(base + CHUNK, CHUNK)])


def _sc_gather(uid_idx, uid_tab):
    mesh = plsc.VectorSubcoreMesh(core_axis_name="c", subcore_axis_name="s")
    f32 = jnp.float32
    return pl.kernel(
        _sc_gather_body,
        mesh=mesh,
        out_type=jax.ShapeDtypeStruct((B, D_ID), f32),
        scratch_types=[
            pltpu.VMEM((BPW,), jnp.int32),
            pltpu.VMEM((CHUNK, D_ID), f32),
            pltpu.VMEM((CHUNK, D_ID), f32),
            pltpu.SemaphoreType.DMA,
            pltpu.SemaphoreType.DMA,
        ],
    )(uid_idx, uid_tab)



def _tower_kernel(uid_ref, uf_ref, if_ref, p_cty, t3_ref,
                  w1u, b1u, w2u, b2u, w1i, b1i, w2i, b2i, out_ref):
    f32 = jnp.float32
    uf = uf_ref[...]
    itf = if_ref[...]
    u_id = uid_ref[...]

    iota_u = jax.lax.broadcasted_iota(jnp.int32, (BT, U_VOC), 1)
    iota_3 = jax.lax.broadcasted_iota(jnp.int32, (BT, 3 * I_VOC), 1)
    oh_cty = (uf[:, 1:2] == iota_u).astype(f32)
    oh_3 = (((itf[:, 0:1] == iota_3)
             | ((itf[:, 1:2] + I_VOC) == iota_3)
             | ((itf[:, 2:3] + 2 * I_VOC) == iota_3))
            .astype(f32))

    u_ct = jnp.dot(oh_cty, p_cty[...], preferred_element_type=f32)
    i_cat = jnp.dot(oh_3, t3_ref[...], preferred_element_type=f32)

    u_cat = jnp.concatenate([u_id, u_ct], axis=1)
    u_pre = jnp.dot(u_cat, w1u[...], preferred_element_type=f32) + b1u[0:1, :]
    u_h = jnp.maximum(u_pre, 0.0)
    u_repr = jnp.dot(u_h, w2u[...], preferred_element_type=f32) + b2u[0:1, :]

    i_pre = jnp.dot(i_cat, w1i[...], preferred_element_type=f32) + b1i[0:1, :]
    i_h = jnp.maximum(i_pre, 0.0)
    i_repr = jnp.dot(i_h, w2i[...], preferred_element_type=f32) + b2i[0:1, :]

    out_ref[...] = jnp.sum(u_repr * i_repr, axis=1, keepdims=True)


def kernel(user_features_batch, item_features_batch, user_id_table,
           country_table, user_W1, user_b1, user_W2, user_b2, item_id_table,
           desc_table, price_table, item_W1, item_b1, item_W2, item_b2):
    uid_idx = user_features_batch[:, 0]

    u_id = _sc_gather(uid_idx, user_id_table)

    p_cty = jnp.zeros((U_VOC, D_FEAT), jnp.float32).at[:200].set(country_table)
    t3 = jnp.zeros((3 * I_VOC, ITEM_IN), jnp.float32)
    t3 = t3.at[:I_VOC, :D_ID].set(item_id_table[:I_VOC])
    t3 = t3.at[I_VOC:2 * I_VOC, D_ID:D_ID + D_FEAT].set(desc_table[:I_VOC])
    t3 = t3.at[2 * I_VOC:2 * I_VOC + 100, D_ID + D_FEAT:].set(price_table)

    b1u = user_b1.reshape(1, -1)
    b2u = user_b2.reshape(1, -1)
    b1i = item_b1.reshape(1, -1)
    b2i = item_b2.reshape(1, -1)

    grid = (B // BT,)
    full = lambda shape: pl.BlockSpec(shape, lambda i: (0, 0))
    row = lambda width: pl.BlockSpec((BT, width), lambda i: (i, 0))
    out = pl.pallas_call(
        _tower_kernel,
        grid=grid,
        in_specs=[
            row(D_ID),
            pl.BlockSpec((BT, 2), lambda i: (i, 0)),
            pl.BlockSpec((BT, 3), lambda i: (i, 0)),
            full((U_VOC, D_FEAT)),
            full((3 * I_VOC, ITEM_IN)),
            full((USER_IN, 2 * USER_IN)),
            full((1, 2 * USER_IN)),
            full((2 * USER_IN, D_OUT)),
            full((1, D_OUT)),
            full((ITEM_IN, 2 * ITEM_IN)),
            full((1, 2 * ITEM_IN)),
            full((2 * ITEM_IN, D_OUT)),
            full((1, D_OUT)),
        ],
        out_specs=pl.BlockSpec((BT, 1), lambda i: (i, 0)),
        out_shape=jax.ShapeDtypeStruct((B, 1), jnp.float32),
        compiler_params=pltpu.CompilerParams(
            dimension_semantics=("parallel",)),
    )(u_id, user_features_batch, item_features_batch, p_cty, t3,
      user_W1, b1u, user_W2, b2u, item_W1, b1i, item_W2, b2i)
    return out.reshape(B)

# --- scband reference (transcript-rebuilt; emitter-appended) ---
"""Pipeline reference for scband-two-tower-model-with-features-46978352284099 (READ-ONLY COPY).

The authoritative reference and input builder live on the scoring server;
editing this copy changes nothing except your own understanding.
"""

import jax, jax.numpy as jnp
import numpy as np

B = 16384
USER_VOCAB = 100000
ITEM_VOCAB = 100000
DESC_VOCAB = 50000
PRICE_VOCAB = 100
COUNTRY_VOCAB = 200
D_ID = 128
D_FEAT = 64
D_OUT = 128
USER_IN = D_ID + D_FEAT            # 192
ITEM_IN = D_ID + 2 * D_FEAT        # 256


def _xavier(key, shape):
    fan_in, fan_out = shape[0], shape[1]
    limit = float(np.sqrt(6.0 / (fan_in + fan_out)))
    return jax.random.uniform(key, shape, jnp.float32, -limit, limit)


def setup_inputs(seed: int = 0) -> dict:
    key = jax.random.key(seed)
    ks = jax.random.split(key, 16)
    user_features_batch = jax.random.randint(ks[0], (B, 2), 0, COUNTRY_VOCAB, dtype=jnp.int32)
    item_features_batch = jax.random.randint(ks[1], (B, 3), 0, PRICE_VOCAB, dtype=jnp.int32)
    return {
        "user_features_batch": user_features_batch,
        "item_features_batch": item_features_batch,
        "user_id_table": _xavier(ks[2], (USER_VOCAB, D_ID)),
        "country_table": _xavier(ks[3], (COUNTRY_VOCAB, D_FEAT)),
        "user_W1": _xavier(ks[4], (USER_IN, USER_IN * 2)),
        "user_b1": jnp.zeros((USER_IN * 2,), jnp.float32),
        "user_W2": _xavier(ks[5], (USER_IN * 2, D_OUT)),
        "user_b2": jnp.zeros((D_OUT,), jnp.float32),
        "item_id_table": _xavier(ks[6], (ITEM_VOCAB, D_ID)),
        "desc_table": _xavier(ks[7], (DESC_VOCAB, D_FEAT)),
        "price_table": _xavier(ks[8], (PRICE_VOCAB, D_FEAT)),
        "item_W1": _xavier(ks[9], (ITEM_IN, ITEM_IN * 2)),
        "item_b1": jnp.zeros((ITEM_IN * 2,), jnp.float32),
        "item_W2": _xavier(ks[10], (ITEM_IN * 2, D_OUT)),
        "item_b2": jnp.zeros((D_OUT,), jnp.float32),
    }


def reference(user_features_batch, item_features_batch,
              user_id_table, country_table, user_W1, user_b1, user_W2, user_b2,
              item_id_table, desc_table, price_table, item_W1, item_b1, item_W2, item_b2):
    # user tower: id embedding + country feature embedding -> MLP
    u_id = jnp.take(user_id_table, user_features_batch[:, 0], axis=0)
    u_country = jnp.take(country_table, user_features_batch[:, 1], axis=0)
    u_cat = jnp.concatenate([u_id, u_country], axis=1)
    u_h = jax.nn.relu(u_cat @ user_W1 + user_b1)
    # dropout is identity in eval mode
    u_repr = u_h @ user_W2 + user_b2
    # item tower: id embedding + description + price bin embeddings -> MLP
    i_id = jnp.take(item_id_table, item_features_batch[:, 0], axis=0)
    i_desc = jnp.take(desc_table, item_features_batch[:, 1], axis=0)
    i_price = jnp.take(price_table, item_features_batch[:, 2], axis=0)
    i_cat = jnp.concatenate([i_id, i_desc, i_price], axis=1)
    i_h = jax.nn.relu(i_cat @ item_W1 + item_b1)
    i_repr = i_h @ item_W2 + item_b2
    return (u_repr * i_repr).sum(axis=1)

if __name__ == "__main__":
    import jax
    _d = setup_inputs()
    print(jax.jit(kernel)(*tuple(_d.values())))

</pallas_src>

<mosaic_0001>
#map = affine_map<(d0, d1) -> (0)>
#map1 = affine_map<(d0, d1) -> (0, 0)>
module attributes {stable_mosaic.version = 14 : i64} {
  func.func @_sc_gather_body(%arg0: i32, %arg1: i32, %arg2: memref<16384xi32, #tpu.memory_space<hbm>>, %arg3: memref<100000x128xf32, #tpu.memory_space<hbm>>, %arg4: memref<16384x128xf32, #tpu.memory_space<hbm>>, %arg5: memref<512xi32, #tpu.memory_space<vmem>>, %arg6: memref<256x128xf32, #tpu.memory_space<vmem>>, %arg7: memref<256x128xf32, #tpu.memory_space<vmem>>, %arg8: memref<!tpu.dma_semaphore, #tpu.memory_space<semaphore_mem>>, %arg9: memref<!tpu.dma_semaphore, #tpu.memory_space<semaphore_mem>>) attributes {dimension_semantics = [#tpu.dimension_semantics<core_parallel>, #tpu.dimension_semantics<subcore_parallel>], iteration_bounds = array<i64: 2, 16>, scalar_prefetch = 0 : i64, scratch_operands = 5 : i64, tpu.core_type = #tpu.core_type<sc_vector_subcore>, window_params = [{transform_indices = #map}, {transform_indices = #map1}, {transform_indices = #map1}]} {
    %mul3A = arith.constant 2 : i32
    %mul3A_0 = arith.muli %arg1, %mul3A : i32
    %add3A = arith.addi %mul3A_0, %arg0 : i32
    %mul3A_1 = arith.constant 512 : i32
    %mul3A_2 = arith.muli %add3A, %mul3A_1 : i32
    "tpu.region"() ({
      %run_scoped3A = tpu.sem_alloc : memref<!tpu.dma_semaphore, #tpu.memory_space<semaphore_mem>>
      %dma_start3A_23 = tpu.memref_slice %arg2[%mul3A_2] : memref<16384xi32, #tpu.memory_space<hbm>> -> memref<512xi32, #tpu.memory_space<hbm>>
      %dma_start3A_24 = tpu.memref_slice %arg2[%mul3A_2] : memref<16384xi32, #tpu.memory_space<hbm>> -> memref<512xi32, #tpu.memory_space<hbm>>
      tpu.enqueue_dma source(%dma_start3A_24 : memref<512xi32, #tpu.memory_space<hbm>>) target(%arg5 : memref<512xi32, #tpu.memory_space<vmem>>) target_semaphore(%run_scoped3A : memref<!tpu.dma_semaphore, #tpu.memory_space<semaphore_mem>>)
      %dma_wait3A_25 = tpu.memref_slice %arg2[%mul3A_2] : memref<16384xi32, #tpu.memory_space<hbm>> -> memref<512xi32, #tpu.memory_space<hbm>>
      %dma_wait3A_26 = tpu.memref_slice %arg2[%mul3A_2] : memref<16384xi32, #tpu.memory_space<hbm>> -> memref<512xi32, #tpu.memory_space<hbm>>
      tpu.wait_dma2 semaphore(%run_scoped3A : memref<!tpu.dma_semaphore, #tpu.memory_space<semaphore_mem>>) src(%dma_wait3A_26 : memref<512xi32, #tpu.memory_space<hbm>>) dst(%arg5 : memref<512xi32, #tpu.memory_space<vmem>>)
      tpu.yield
    }) : () -> ()
    %dma_start3A = arith.constant 0 : i32
    %dma_start3A_3 = tpu.memref_slice %arg5[%dma_start3A] : memref<512xi32, #tpu.memory_space<vmem>> -> memref<256xi32, #tpu.memory_space<vmem>>
    %dma_start3A_4 = arith.constant 0 : i32
    %dma_start3A_5 = arith.constant 0 : i32
    %dma_start3A_6 = tpu.memref_slice %arg3[%dma_start3A_4, %dma_start3A_5] : memref<100000x128xf32, #tpu.memory_space<hbm>> -> memref<100000x128xf32, #tpu.memory_space<hbm>>
    tpu.enqueue_indirect_dma source(%dma_start3A_6 : memref<100000x128xf32, #tpu.memory_space<hbm>>) target(%arg6 : memref<256x128xf32, #tpu.memory_space<vmem>>) offsets(%dma_start3A_3 : memref<256xi32, #tpu.memory_space<vmem>>) semaphore(%arg8 : memref<!tpu.dma_semaphore, #tpu.memory_space<semaphore_mem>>)
    %dma_start3A_7 = arith.constant 256 : i32
    %dma_start3A_8 = tpu.memref_slice %arg5[%dma_start3A_7] : memref<512xi32, #tpu.memory_space<vmem>> -> memref<256xi32, #tpu.memory_space<vmem>>
    %dma_start3A_9 = arith.constant 0 : i32
    %dma_start3A_10 = arith.constant 0 : i32
    %dma_start3A_11 = tpu.memref_slice %arg3[%dma_start3A_9, %dma_start3A_10] : memref<100000x128xf32, #tpu.memory_space<hbm>> -> memref<100000x128xf32, #tpu.memory_space<hbm>>
    tpu.enqueue_indirect_dma source(%dma_start3A_11 : memref<100000x128xf32, #tpu.memory_space<hbm>>) target(%arg7 : memref<256x128xf32, #tpu.memory_space<vmem>>) offsets(%dma_start3A_8 : memref<256xi32, #tpu.memory_space<vmem>>) semaphore(%arg9 : memref<!tpu.dma_semaphore, #tpu.memory_space<semaphore_mem>>)
    %dma_wait3A = arith.constant 0 : i32
    %dma_wait3A_12 = tpu.memref_slice %arg5[%dma_wait3A] : memref<512xi32, #tpu.memory_space<vmem>> -> memref<256xi32, #tpu.memory_space<vmem>>
    %dma_wait3A_13 = arith.constant 0 : i32
    %dma_wait3A_14 = arith.constant 0 : i32
    %dma_wait3A_15 = tpu.memref_slice %arg3[%dma_wait3A_13, %dma_wait3A_14] : memref<100000x128xf32, #tpu.memory_space<hbm>> -> memref<100000x128xf32, #tpu.memory_space<hbm>>
    tpu.wait_indirect_dma semaphore(%arg8 : memref<!tpu.dma_semaphore, #tpu.memory_space<semaphore_mem>>) src(%dma_wait3A_15 : memref<100000x128xf32, #tpu.memory_space<hbm>>) dst(%arg6 : memref<256x128xf32, #tpu.memory_space<vmem>>)
    "tpu.region"() ({
      %run_scoped3A = tpu.sem_alloc : memref<!tpu.dma_semaphore, #tpu.memory_space<semaphore_mem>>
      %dma_start3A_23 = arith.constant 0 : i32
      %dma_start3A_24 = tpu.memref_slice %arg4[%mul3A_2, %dma_start3A_23] : memref<16384x128xf32, #tpu.memory_space<hbm>> -> memref<256x128xf32, #tpu.memory_space<hbm>>
      %dma_start3A_25 = arith.constant 0 : i32
      %dma_start3A_26 = tpu.memref_slice %arg4[%mul3A_2, %dma_start3A_25] : memref<16384x128xf32, #tpu.memory_space<hbm>> -> memref<256x128xf32, #tpu.memory_space<hbm>>
      tpu.enqueue_dma source(%arg6 : memref<256x128xf32, #tpu.memory_space<vmem>>) target(%dma_start3A_26 : memref<256x128xf32, #tpu.memory_space<hbm>>) target_semaphore(%run_scoped3A : memref<!tpu.dma_semaphore, #tpu.memory_space<semaphore_mem>>)
      %dma_wait3A_27 = arith.constant 0 : i32
      %dma_wait3A_28 = tpu.memref_slice %arg4[%mul3A_2, %dma_wait3A_27] : memref<16384x128xf32, #tpu.memory_space<hbm>> -> memref<256x128xf32, #tpu.memory_space<hbm>>
      %dma_wait3A_29 = arith.constant 0 : i32
      %dma_wait3A_30 = tpu.memref_slice %arg4[%mul3A_2, %dma_wait3A_29] : memref<16384x128xf32, #tpu.memory_space<hbm>> -> memref<256x128xf32, #tpu.memory_space<hbm>>
      tpu.wait_dma2 semaphore(%run_scoped3A : memref<!tpu.dma_semaphore, #tpu.memory_space<semaphore_mem>>) src(%arg6 : memref<256x128xf32, #tpu.memory_space<vmem>>) dst(%dma_wait3A_30 : memref<256x128xf32, #tpu.memory_space<hbm>>)
      tpu.yield
    }) : () -> ()
    %dma_wait3A_16 = arith.constant 256 : i32
    %dma_wait3A_17 = tpu.memref_slice %arg5[%dma_wait3A_16] : memref<512xi32, #tpu.memory_space<vmem>> -> memref<256xi32, #tpu.memory_space<vmem>>
    %dma_wait3A_18 = arith.constant 0 : i32
    %dma_wait3A_19 = arith.constant 0 : i32
    %dma_wait3A_20 = tpu.memref_slice %arg3[%dma_wait3A_18, %dma_wait3A_19] : memref<100000x128xf32, #tpu.memory_space<hbm>> -> memref<100000x128xf32, #tpu.memory_space<hbm>>
    tpu.wait_indirect_dma semaphore(%arg9 : memref<!tpu.dma_semaphore, #tpu.memory_space<semaphore_mem>>) src(%dma_wait3A_20 : memref<100000x128xf32, #tpu.memory_space<hbm>>) dst(%arg7 : memref<256x128xf32, #tpu.memory_space<vmem>>)
    %add3A_21 = arith.constant 256 : i32
    %add3A_22 = arith.addi %mul3A_2, %add3A_21 : i32
    "tpu.region"() ({
      %run_scoped3A = tpu.sem_alloc : memref<!tpu.dma_semaphore, #tpu.memory_space<semaphore_mem>>
      %dma_start3A_23 = arith.constant 0 : i32
      %dma_start3A_24 = tpu.memref_slice %arg4[%add3A_22, %dma_start3A_23] : memref<16384x128xf32, #tpu.memory_space<hbm>> -> memref<256x128xf32, #tpu.memory_space<hbm>>
      %dma_start3A_25 = arith.constant 0 : i32
      %dma_start3A_26 = tpu.memref_slice %arg4[%add3A_22, %dma_start3A_25] : memref<16384x128xf32, #tpu.memory_space<hbm>> -> memref<256x128xf32, #tpu.memory_space<hbm>>
      tpu.enqueue_dma source(%arg7 : memref<256x128xf32, #tpu.memory_space<vmem>>) target(%dma_start3A_26 : memref<256x128xf32, #tpu.memory_space<hbm>>) target_semaphore(%run_scoped3A : memref<!tpu.dma_semaphore, #tpu.memory_space<semaphore_mem>>)
      %dma_wait3A_27 = arith.constant 0 : i32
      %dma_wait3A_28 = tpu.memref_slice %arg4[%add3A_22, %dma_wait3A_27] : memref<16384x128xf32, #tpu.memory_space<hbm>> -> memref<256x128xf32, #tpu.memory_space<hbm>>
      %dma_wait3A_29 = arith.constant 0 : i32
      %dma_wait3A_30 = tpu.memref_slice %arg4[%add3A_22, %dma_wait3A_29] : memref<16384x128xf32, #tpu.memory_space<hbm>> -> memref<256x128xf32, #tpu.memory_space<hbm>>
      tpu.wait_dma2 semaphore(%run_scoped3A : memref<!tpu.dma_semaphore, #tpu.memory_space<semaphore_mem>>) src(%arg7 : memref<256x128xf32, #tpu.memory_space<vmem>>) dst(%dma_wait3A_30 : memref<256x128xf32, #tpu.memory_space<hbm>>)
      tpu.yield
    }) : () -> ()
    return
  }
}

module attributes {stable_mosaic.version = 14 : i64} {
  func.func @_tower_kernel(%arg0: i32, %arg1: memref<2048x128xf32, #tpu.memory_space<vmem>>, %arg2: memref<2048x2xi32, #tpu.memory_space<vmem>>, %arg3: memref<2048x3xi32, #tpu.memory_space<vmem>>, %arg4: memref<256x64xf32, #tpu.memory_space<vmem>>, %arg5: memref<384x256xf32, #tpu.memory_space<vmem>>, %arg6: memref<192x384xf32, #tpu.memory_space<vmem>>, %arg7: memref<1x384xf32, #tpu.memory_space<vmem>>, %arg8: memref<384x128xf32, #tpu.memory_space<vmem>>, %arg9: memref<1x128xf32, #tpu.memory_space<vmem>>, %arg10: memref<256x512xf32, #tpu.memory_space<vmem>>, %arg11: memref<1x512xf32, #tpu.memory_space<vmem>>, %arg12: memref<512x128xf32, #tpu.memory_space<vmem>>, %arg13: memref<1x128xf32, #tpu.memory_space<vmem>>, %arg14: memref<2048x1xf32, #tpu.memory_space<vmem>>) attributes {dimension_semantics = [#tpu.dimension_semantics<parallel>], iteration_bounds = array<i64: 8>, scalar_prefetch = 0 : i64, scratch_operands = 0 : i64, tpu.core_type = #tpu.core_type<tc>, window_params = [{transform_indices = @transform_0, window_bounds = array<i64: 2048, 128>}, {transform_indices = @transform_1, window_bounds = array<i64: 2048, 2>}, {transform_indices = @transform_2, window_bounds = array<i64: 2048, 3>}, {pipeline_mode = #tpu.pipeline_mode<synchronous>, transform_indices = @transform_3, window_bounds = array<i64: 256, 64>}, {pipeline_mode = #tpu.pipeline_mode<synchronous>, transform_indices = @transform_4, window_bounds = array<i64: 384, 256>}, {pipeline_mode = #tpu.pipeline_mode<synchronous>, transform_indices = @transform_5, window_bounds = array<i64: 192, 384>}, {pipeline_mode = #tpu.pipeline_mode<synchronous>, transform_indices = @transform_6, window_bounds = array<i64: 1, 384>}, {pipeline_mode = #tpu.pipeline_mode<synchronous>, transform_indices = @transform_7, window_bounds = array<i64: 384, 128>}, {pipeline_mode = #tpu.pipeline_mode<synchronous>, transform_indices = @transform_8, window_bounds = array<i64: 1, 128>}, {pipeline_mode = #tpu.pipeline_mode<synchronous>, transform_indices = @transform_9, window_bounds = array<i64: 256, 512>}, {pipeline_mode = #tpu.pipeline_mode<synchronous>, transform_indices = @transform_10, window_bounds = array<i64: 1, 512>}, {pipeline_mode = #tpu.pipeline_mode<synchronous>, transform_indices = @transform_11, window_bounds = array<i64: 512, 128>}, {pipeline_mode = #tpu.pipeline_mode<synchronous>, transform_indices = @transform_12, window_bounds = array<i64: 1, 128>}, {transform_indices = @transform_13, window_bounds = array<i64: 2048, 1>}]} {
    %get3A = arith.constant 0 : index
    %get3A_0 = arith.constant 0 : index
    %get3A_1 = vector.load %arg2[%get3A, %get3A_0] : memref<2048x2xi32, #tpu.memory_space<vmem>>, vector<2048x2xi32>
    %get3A_2 = arith.constant 0 : index
    %get3A_3 = arith.constant 0 : index
    %get3A_4 = vector.load %arg3[%get3A_2, %get3A_3] : memref<2048x3xi32, #tpu.memory_space<vmem>>, vector<2048x3xi32>
    %get3A_5 = arith.constant 0 : index
    %get3A_6 = arith.constant 0 : index
    %get3A_7 = vector.load %arg1[%get3A_5, %get3A_6] : memref<2048x128xf32, #tpu.memory_space<vmem>>, vector<2048x128xf32>
    %iota3A = tpu.iota {dimensions = array<i32: 1>} : vector<2048x256xi32>
    %iota3A_8 = tpu.iota {dimensions = array<i32: 1>} : vector<2048x384xi32>
    %slice3A = vector.extract_strided_slice %get3A_1 {offsets = [0, 1], sizes = [2048, 1], strides = [1, 1]} : vector<2048x2xi32> to vector<2048x1xi32>
    %eq3A = vector.broadcast %slice3A : vector<2048x1xi32> to vector<2048x256xi32>
    %eq3A_9 = arith.cmpi eq, %eq3A, %iota3A : vector<2048x256xi32>
    %convert_element_type3A = arith.extui %eq3A_9 : vector<2048x256xi1> to vector<2048x256xi32>
    %convert_element_type3A_10 = arith.sitofp %convert_element_type3A : vector<2048x256xi32> to vector<2048x256xf32>
    %slice3A_11 = vector.extract_strided_slice %get3A_4 {offsets = [0, 0], sizes = [2048, 1], strides = [1, 1]} : vector<2048x3xi32> to vector<2048x1xi32>
    %eq3A_12 = vector.broadcast %slice3A_11 : vector<2048x1xi32> to vector<2048x384xi32>
    %eq3A_13 = arith.cmpi eq, %eq3A_12, %iota3A_8 : vector<2048x384xi32>
    %slice3A_14 = vector.extract_strided_slice %get3A_4 {offsets = [0, 1], sizes = [2048, 1], strides = [1, 1]} : vector<2048x3xi32> to vector<2048x1xi32>
    %add3A = arith.constant 128 : i32
    %add3A_15 = vector.broadcast %add3A : i32 to vector<2048x1xi32>
    %add3A_16 = arith.addi %slice3A_14, %add3A_15 : vector<2048x1xi32>
    %eq3A_17 = vector.broadcast %add3A_16 : vector<2048x1xi32> to vector<2048x384xi32>
    %eq3A_18 = arith.cmpi eq, %eq3A_17, %iota3A_8 : vector<2048x384xi32>
    %or3A = arith.ori %eq3A_13, %eq3A_18 : vector<2048x384xi1>
    %slice3A_19 = vector.extract_strided_slice %get3A_4 {offsets = [0, 2], sizes = [2048, 1], strides = [1, 1]} : vector<2048x3xi32> to vector<2048x1xi32>
    %add3A_20 = arith.constant 256 : i32
    %add3A_21 = vector.broadcast %add3A_20 : i32 to vector<2048x1xi32>
    %add3A_22 = arith.addi %slice3A_19, %add3A_21 : vector<2048x1xi32>
    %eq3A_23 = vector.broadcast %add3A_22 : vector<2048x1xi32> to vector<2048x384xi32>
    %eq3A_24 = arith.cmpi eq, %eq3A_23, %iota3A_8 : vector<2048x384xi32>
    %or3A_25 = arith.ori %or3A, %eq3A_24 : vector<2048x384xi1>
    %convert_element_type3A_26 = arith.extui %or3A_25 : vector<2048x384xi1> to vector<2048x384xi32>
    %convert_element_type3A_27 = arith.sitofp %convert_element_type3A_26 : vector<2048x384xi32> to vector<2048x384xf32>
    %get3A_28 = arith.constant 0 : index
    %get3A_29 = arith.constant 0 : index
    %get3A_30 = vector.load %arg4[%get3A_28, %get3A_29] : memref<256x64xf32, #tpu.memory_space<vmem>>, vector<256x64xf32>
    %dot_general3A = arith.constant dense<0.000000e+00> : vector<2048x64xf32>
    %dot_general3A_31 = tpu.matmul %convert_element_type3A_10, %get3A_30, %dot_general3A {dimension_numbers = #tpu.dot_dimension_numbers<[1], [0], [0], [1], [0, 0, 1, 1], [], []>, transpose_lhs_hint = false} : vector<2048x256xf32>, vector<256x64xf32>, vector<2048x64xf32> -> vector<2048x64xf32>
    %get3A_32 = arith.constant 0 : index
    %get3A_33 = arith.constant 0 : index
    %get3A_34 = vector.load %arg5[%get3A_32, %get3A_33] : memref<384x256xf32, #tpu.memory_space<vmem>>, vector<384x256xf32>
    %dot_general3A_35 = arith.constant dense<0.000000e+00> : vector<2048x256xf32>
    %dot_general3A_36 = tpu.matmul %convert_element_type3A_27, %get3A_34, %dot_general3A_35 {dimension_numbers = #tpu.dot_dimension_numbers<[1], [0], [0], [1], [0, 0, 1, 1], [], []>, transpose_lhs_hint = false} : vector<2048x384xf32>, vector<384x256xf32>, vector<2048x256xf32> -> vector<2048x256xf32>
    %concatenate3A = tpu.concatenate %get3A_7, %dot_general3A_31 in 1 : vector<2048x128xf32>, vector<2048x64xf32> -> vector<2048x192xf32>
    %get3A_37 = arith.constant 0 : index
    %get3A_38 = arith.constant 0 : index
    %get3A_39 = vector.load %arg6[%get3A_37, %get3A_38] : memref<192x384xf32, #tpu.memory_space<vmem>>, vector<192x384xf32>
    %dot_general3A_40 = arith.constant dense<0.000000e+00> : vector<2048x384xf32>
    %dot_general3A_41 = tpu.matmul %concatenate3A, %get3A_39, %dot_general3A_40 {dimension_numbers = #tpu.dot_dimension_numbers<[1], [0], [0], [1], [0, 0, 1, 1], [], []>, transpose_lhs_hint = false} : vector<2048x192xf32>, vector<192x384xf32>, vector<2048x384xf32> -> vector<2048x384xf32>
    %get3A_42 = arith.constant 0 : index
    %get3A_43 = arith.constant 0 : index
    %get3A_44 = vector.load %arg7[%get3A_42, %get3A_43] : memref<1x384xf32, #tpu.memory_space<vmem>>, vector<1x384xf32>
    %add3A_45 = vector.broadcast %get3A_44 : vector<1x384xf32> to vector<2048x384xf32>
    %add3A_46 = arith.addf %dot_general3A_41, %add3A_45 : vector<2048x384xf32>
    %max3A = arith.constant 0.000000e+00 : f32
    %max3A_47 = vector.broadcast %max3A : f32 to vector<2048x384xf32>
    %max3A_48 = arith.maximumf %add3A_46, %max3A_47 : vector<2048x384xf32>
    %get3A_49 = arith.constant 0 : index
    %get3A_50 = arith.constant 0 : index
    %get3A_51 = vector.load %arg8[%get3A_49, %get3A_50] : memref<384x128xf32, #tpu.memory_space<vmem>>, vector<384x128xf32>
    %dot_general3A_52 = arith.constant dense<0.000000e+00> : vector<2048x128xf32>
    %dot_general3A_53 = tpu.matmul %max3A_48, %get3A_51, %dot_general3A_52 {dimension_numbers = #tpu.dot_dimension_numbers<[1], [0], [0], [1], [0, 0, 1, 1], [], []>, transpose_lhs_hint = false} : vector<2048x384xf32>, vector<384x128xf32>, vector<2048x128xf32> -> vector<2048x128xf32>
    %get3A_54 = arith.constant 0 : index
    %get3A_55 = arith.constant 0 : index
    %get3A_56 = vector.load %arg9[%get3A_54, %get3A_55] : memref<1x128xf32, #tpu.memory_space<vmem>>, vector<1x128xf32>
    %add3A_57 = vector.broadcast %get3A_56 : vector<1x128xf32> to vector<2048x128xf32>
    %add3A_58 = arith.addf %dot_general3A_53, %add3A_57 : vector<2048x128xf32>
    %get3A_59 = arith.constant 0 : index
    %get3A_60 = arith.constant 0 : index
    %get3A_61 = vector.load %arg10[%get3A_59, %get3A_60] : memref<256x512xf32, #tpu.memory_space<vmem>>, vector<256x512xf32>
    %dot_general3A_62 = arith.constant dense<0.000000e+00> : vector<2048x512xf32>
    %dot_general3A_63 = tpu.matmul %dot_general3A_36, %get3A_61, %dot_general3A_62 {dimension_numbers = #tpu.dot_dimension_numbers<[1], [0], [0], [1], [0, 0, 1, 1], [], []>, transpose_lhs_hint = false} : vector<2048x256xf32>, vector<256x512xf32>, vector<2048x512xf32> -> vector<2048x512xf32>
    %get3A_64 = arith.constant 0 : index
    %get3A_65 = arith.constant 0 : index
    %get3A_66 = vector.load %arg11[%get3A_64, %get3A_65] : memref<1x512xf32, #tpu.memory_space<vmem>>, vector<1x512xf32>
    %add3A_67 = vector.broadcast %get3A_66 : vector<1x512xf32> to vector<2048x512xf32>
    %add3A_68 = arith.addf %dot_general3A_63, %add3A_67 : vector<2048x512xf32>
    %max3A_69 = arith.constant 0.000000e+00 : f32
    %max3A_70 = vector.broadcast %max3A_69 : f32 to vector<2048x512xf32>
    %max3A_71 = arith.maximumf %add3A_68, %max3A_70 : vector<2048x512xf32>
    %get3A_72 = arith.constant 0 : index
    %get3A_73 = arith.constant 0 : index
    %get3A_74 = vector.load %arg12[%get3A_72, %get3A_73] : memref<512x128xf32, #tpu.memory_space<vmem>>, vector<512x128xf32>
    %dot_general3A_75 = arith.constant dense<0.000000e+00> : vector<2048x128xf32>
    %dot_general3A_76 = tpu.matmul %max3A_71, %get3A_74, %dot_general3A_75 {dimension_numbers = #tpu.dot_dimension_numbers<[1], [0], [0], [1], [0, 0, 1, 1], [], []>, transpose_lhs_hint = false} : vector<2048x512xf32>, vector<512x128xf32>, vector<2048x128xf32> -> vector<2048x128xf32>
    %get3A_77 = arith.constant 0 : index
    %get3A_78 = arith.constant 0 : index
    %get3A_79 = vector.load %arg13[%get3A_77, %get3A_78] : memref<1x128xf32, #tpu.memory_space<vmem>>, vector<1x128xf32>
    %add3A_80 = vector.broadcast %get3A_79 : vector<1x128xf32> to vector<2048x128xf32>
    %add3A_81 = arith.addf %dot_general3A_76, %add3A_80 : vector<2048x128xf32>
    %mul3A = arith.mulf %add3A_58, %add3A_81 : vector<2048x128xf32>
    %reduce_sum3A = arith.constant dense<0.000000e+00> : vector<2048xf32>
    %reduce_sum3A_82 = vector.multi_reduction <add>, %mul3A, %reduce_sum3A [1] : vector<2048x128xf32> to vector<2048xf32>
    %broadcast_in_dim3A = vector.shape_cast %reduce_sum3A_82 : vector<2048xf32> to vector<2048x1xf32>
    %swap3A = arith.constant 0 : index
    %swap3A_83 = arith.constant 0 : index
    %swap3A_84 = vector.load %arg14[%swap3A, %swap3A_83] : memref<2048x1xf32, #tpu.memory_space<vmem>>, vector<2048x1xf32>
    tpu.vector_store %arg14[%swap3A, %swap3A_83], %broadcast_in_dim3A {strides = array<i32>} : memref<2048x1xf32, #tpu.memory_space<vmem>>, vector<2048x1xf32>,
    return
  }
  func.func @transform_0(%arg0: i32) -> (i32, i32) {
    %c0_i32 = arith.constant 0 : i32
    %c0_i32_0 = arith.constant 0 : i32
    return %arg0, %c0_i32 : i32, i32
  }
  func.func @transform_1(%arg0: i32) -> (i32, i32) {
    %c0_i32 = arith.constant 0 : i32
    %c0_i32_0 = arith.constant 0 : i32
    return %arg0, %c0_i32 : i32, i32
  }
  func.func @transform_2(%arg0: i32) -> (i32, i32) {
    %c0_i32 = arith.constant 0 : i32
    %c0_i32_0 = arith.constant 0 : i32
    return %arg0, %c0_i32 : i32, i32
  }
  func.func @transform_3(%arg0: i32) -> (i32, i32) {
    %c0_i32 = arith.constant 0 : i32
    %c0_i32_0 = arith.constant 0 : i32
    %c0_i32_1 = arith.constant 0 : i32
    return %c0_i32, %c0_i32_0 : i32, i32
  }
  func.func @transform_4(%arg0: i32) -> (i32, i32) {
    %c0_i32 = arith.constant 0 : i32
    %c0_i32_0 = arith.constant 0 : i32
    %c0_i32_1 = arith.constant 0 : i32
    return %c0_i32, %c0_i32_0 : i32, i32
  }
  func.func @transform_5(%arg0: i32) -> (i32, i32) {
    %c0_i32 = arith.constant 0 : i32
    %c0_i32_0 = arith.constant 0 : i32
    %c0_i32_1 = arith.constant 0 : i32
    return %c0_i32, %c0_i32_0 : i32, i32
  }
  func.func @transform_6(%arg0: i32) -> (i32, i32) {
    %c0_i32 = arith.constant 0 : i32
    %c0_i32_0 = arith.constant 0 : i32
    %c0_i32_1 = arith.constant 0 : i32
    return %c0_i32, %c0_i32_0 : i32, i32
  }
  func.func @transform_7(%arg0: i32) -> (i32, i32) {
    %c0_i32 = arith.constant 0 : i32
    %c0_i32_0 = arith.constant 0 : i32
    %c0_i32_1 = arith.constant 0 : i32
    return %c0_i32, %c0_i32_0 : i32, i32
  }
  func.func @transform_8(%arg0: i32) -> (i32, i32) {
    %c0_i32 = arith.constant 0 : i32
    %c0_i32_0 = arith.constant 0 : i32
    %c0_i32_1 = arith.constant 0 : i32
    return %c0_i32, %c0_i32_0 : i32, i32
  }
  func.func @transform_9(%arg0: i32) -> (i32, i32) {
    %c0_i32 = arith.constant 0 : i32
    %c0_i32_0 = arith.constant 0 : i32
    %c0_i32_1 = arith.constant 0 : i32
    return %c0_i32, %c0_i32_0 : i32, i32
  }
  func.func @transform_10(%arg0: i32) -> (i32, i32) {
    %c0_i32 = arith.constant 0 : i32
    %c0_i32_0 = arith.constant 0 : i32
    %c0_i32_1 = arith.constant 0 : i32
    return %c0_i32, %c0_i32_0 : i32, i32
  }
  func.func @transform_11(%arg0: i32) -> (i32, i32) {
    %c0_i32 = arith.constant 0 : i32
    %c0_i32_0 = arith.constant 0 : i32
    %c0_i32_1 = arith.constant 0 : i32
    return %c0_i32, %c0_i32_0 : i32, i32
  }
  func.func @transform_12(%arg0: i32) -> (i32, i32) {
    %c0_i32 = arith.constant 0 : i32
    %c0_i32_0 = arith.constant 0 : i32
    %c0_i32_1 = arith.constant 0 : i32
    return %c0_i32, %c0_i32_0 : i32, i32
  }
  func.func @transform_13(%arg0: i32) -> (i32, i32) {
    %c0_i32 = arith.constant 0 : i32
    %c0_i32_0 = arith.constant 0 : i32
    return %arg0, %c0_i32 : i32, i32
  }
}

</mosaic_0001>

<sc_bundles>
// kernel: kernel.4.cloned.1.call-start
scs
__scs_entry_jumppad:
0x0: {  	(pc) =	sbr.rel $0x88, $3  }
0x1: {  	(tag) =	ssettag $0x0;
	lr =	simm.s32 $0x1  }
0x2: {  	[smem:$0x3F92] =	sst lr;
	_ =	strace $0xD0000000  }
0x3: {  	_ = 	snop  }
0x4: {  	_ = 	snop  }
0x5: {  	_ = 	snop  }
0x6: {  	_ = 	snop  }
0x7: {  	_ = 	snop  }
__scs_overlays_trampoline_lowered:
0x8: {  	[smem:$0x3FA1] =	sst s0  }
0x9: {  	[smem:$0x3FA2] =	sst s1  }
0xa: {  	[smem:$0x3FA3] =	sst s2  }
0xb: {  	[smem:$0x3FA4] =	sst s3  }
0xc: {  	[smem:$0x3FA5] =	sst s4  }
0xd: {  	[smem:$0x3FA6] =	sst s5  }
0xe: {  	[smem:$0x3FA7] =	sst s6  }
0xf: {  	[smem:$0x3FA8] =	sst s7  }
0x10: {  	[smem:$0x3FA9] =	sst s8  }
0x11: {  	[smem:$0x3FAA] =	sst s9;
	s0 =	simm.s32 @!p0 $0x0  }
0x12: {  	s1 =	sld [smem:$0x3F90];
	s0 =	simm.s32 @p0 $0x1  }
0x13: {  	[smem:$0x3FAB] =	sst s0;
	s0 =	simm.s32 @!p1 $0x0  }
0x14: {  	s2 =	sld [smem:$0x3F8F];
	s0 =	simm.s32 @p1 $0x1  }
0x15: {  	[smem:$0x3FAC] =	sst s0;
	s0 =	simm.s32 @!p2 $0x0  }
0x16: {  	s3 =	sld [smem:$0x3FDB];
	s0 =	simm.s32 @p2 $0x1  }
0x17: {  	s4 =	simm.s32 $0x1BF5;
	[smem:$0x3FAE] =	sst s0  }
0x18: {  	s0 =	sld [smem:$0x3F91];
	_ =	swait.ge [sflag:s4], $0x0  }
0x19: {  	s7 =	sld [smem:$0x3F92]  }
0x1a: {  	s8 =	sadd.s32 $0xFFFFE003, lr  }
0x1b: {  	s9 =	sadd.s32 $0xFFFFFEF7, lr;
	s5 =	simm.s32 $0xFFFFFFFF;
	p2 =	slt.u32 s8, $0xFFFFF086  }
0x1c: {  	p1 =	slt.u32 s9, $0xF7A;
	s5 =	simm.s32 @!p2 $0x0  }
0x1d: {  	s5 =	simm.s32 @p1 $0x1;
	p0 =	seq.s32 s7, s2  }
0x1e: {  	s7 =	smul.u32 @!p0 $0xF7A, s2;
	p2 =	seq.s32 @!p0 s5, $0x0  }
0x1f: {  	s9 =	smul.u32 $0xF7A, s1;
	s8 =	simm.s32 @!p0 $0x1BF5;
	p2 =	por !p2, p0  }
0x20: {  	[sflag:s8] =	ssyncset.s32 @!p0 $0xFFFFF086;
	s6 =	sadd.s32 @!p0 s3, s7;
	s7 =	simm.s32 @!p0 $0x108  }
0x21: {  	s3 =	sadd.s32 s3, s9;
	s6 =	sadd.s32 @!p0 $0x88, s6;
	s7 =	simm.s32 @p2 $0x1082  }
0x22: {  	[simem:s7], [sflag:s8] =	dma.local @!p0 [hbm:s6], $0xF7A  }
0x23: {  	s9 =	sor.u32 $0xD0000000, s2;
	s6 =	simm.s32 $0x108;
	_ =	swait.ge @!p0 [sflag:s8], $0x0  }
0x24: {  	s3 =	sadd.s32 $0x88, s3;
	s6 =	simm.s32 @!p1 $0x1082;
	[sflag:s4] =	ssyncset.s32 $0xFFFFF086  }
0x25: {  	[simem:s6], [sflag:s4] =	dma.local [hbm:s3], $0xF7A  }
0x26: {  	[smem:$0x3F92] =	sst s1;
	(tag) =	ssettag s2;
	_ =	strace s9  }
0x27: {  	s1 =	sld [smem:$0x3FA2]  }
0x28: {  	s2 =	sld [smem:$0x3FA3]  }
0x29: {  	s4 =	sld [smem:$0x3FA5]  }
0x2a: {  	p0 =	seq.s32 s5, $0x0;
	s5 =	sld [smem:$0x3FA6]  }
0x2b: {  	s6 =	sld [smem:$0x3FA7]  }
0x2c: {  	s7 =	sld [smem:$0x3FA8]  }
0x2d: {  	s3 =	simm.s32 $0x108;
	s8 =	sld [smem:$0x3FA9]  }
0x2e: {  	s3 =	simm.s32 @!p0 $0x1082;
	s9 =	sld [smem:$0x3FAA]  }
0x2f: {  	lr =	sadd.s32 s0, s3;
	s0 =	sld [smem:$0x3FA1]  }
0x30: {  	s3 =	sld [smem:$0x3FA4]  }
0x31: {  	[smem:$0x3FAD] =	sst s10  }
0x32: {  	s10 =	sld [smem:$0x3FAB];
	_ =	sdelay $0x3  }
0x33: {  	p0 =	seq.s32 s10, $0x1;
	s10 =	sld [smem:$0x3FAD];
	_ =	sdelay $0x3  }
0x34: {  	[smem:$0x3FAD] =	sst s10  }
0x35: {  	s10 =	sld [smem:$0x3FAC];
	_ =	sdelay $0x3  }
0x36: {  	p1 =	seq.s32 s10, $0x1;
	s10 =	sld [smem:$0x3FAD];
	_ =	sdelay $0x3  }
0x37: {  	[smem:$0x3FAD] =	sst s10  }
0x38: {  	s10 =	sld [smem:$0x3FAE]  }
0x39: {  	_ = 	snop;
	(pc) =	sbr.ind lr, $3  }
0x3a: {  	_ = 	snop  }
0x3b: {  	_ = 	snop  }
0x3c: {  	p2 =	seq.s32 s10, $0x1;
	s10 =	sld [smem:$0x3FAD]  }
0x3d: {  	_ =	shalt  }
0x3e: {  	_ =	shalt  }
0x3f: {  	_ =	shalt  }
0x40: {  	_ =	shalt  }
0x41: {  	_ =	shalt  }
0x42: {  	_ =	shalt  }
0x43: {  	_ =	shalt  }
0x44: {  	_ =	shalt  }
0x45: {  	_ =	shalt  }
0x46: {  	_ =	shalt  }
0x47: {  	_ =	shalt  }
0x48: {  	_ =	shalt  }
0x49: {  	_ =	shalt  }
0x4a: {  	_ =	shalt  }
0x4b: {  	_ =	shalt  }
0x4c: {  	_ =	shalt  }
0x4d: {  	_ =	shalt  }
0x4e: {  	_ =	shalt  }
0x4f: {  	_ =	shalt  }
0x50: {  	_ =	shalt  }
0x51: {  	_ =	shalt  }
0x52: {  	_ =	shalt  }
0x53: {  	_ =	shalt  }
0x54: {  	_ =	shalt  }
0x55: {  	_ =	shalt  }
0x56: {  	_ =	shalt  }
0x57: {  	_ =	shalt  }
0x58: {  	_ =	shalt  }
0x59: {  	_ =	shalt  }
0x5a: {  	_ =	shalt  }
0x5b: {  	_ =	shalt  }
0x5c: {  	_ =	shalt  }
0x5d: {  	_ =	shalt  }
0x5e: {  	_ =	shalt  }
0x5f: {  	_ =	shalt  }
0x60: {  	_ =	shalt  }
0x61: {  	_ =	shalt  }
0x62: {  	_ =	shalt  }
0x63: {  	_ =	shalt  }
0x64: {  	_ =	shalt  }
0x65: {  	_ =	shalt  }
0x66: {  	_ =	shalt  }
0x67: {  	_ =	shalt  }
0x68: {  	_ =	shalt  }
0x69: {  	_ =	shalt  }
0x6a: {  	_ =	shalt  }
0x6b: {  	_ =	shalt  }
0x6c: {  	_ =	shalt  }
0x6d: {  	_ =	shalt  }
0x6e: {  	_ =	shalt  }
0x6f: {  	_ =	shalt  }
0x70: {  	_ =	shalt  }
0x71: {  	_ =	shalt  }
0x72: {  	_ =	shalt  }
0x73: {  	_ =	shalt  }
0x74: {  	_ =	shalt  }
0x75: {  	_ =	shalt  }
0x76: {  	_ =	shalt  }
0x77: {  	_ =	shalt  }
0x78: {  	_ =	shalt  }
0x79: {  	_ =	shalt  }
0x7a: {  	_ =	shalt  }
0x7b: {  	_ =	shalt  }
0x7c: {  	_ =	shalt  }
0x7d: {  	_ =	shalt  }
0x7e: {  	_ =	shalt  }
0x7f: {  	_ =	shalt  }
0x80: {  	_ =	shalt  }
0x81: {  	_ =	shalt  }
0x82: {  	_ =	shalt  }
0x83: {  	_ =	shalt  }
0x84: {  	_ =	shalt  }
0x85: {  	_ =	shalt  }
0x86: {  	_ =	shalt  }
0x87: {  	_ =	shalt  }
.Lfunc_end0:
.L_simem_size_0:
called_computation_lowered:
.L_overlay_start_0:
0x88: {  	s2 =	sld [smem:$0x3FD9]  }
0x89: {  	s3 =	sld [smem:$0x3FFE];
	_ =	sdelay $0x1  }
0x8a: {  	s1 =	srdreg.scid  }
0x8b: {  	s0 =	sand.u32 $0x1, s1  }
0x8c: {  	s17 =	sshll.u32 s0, $0xA;
	s2 =	sadd.s32 s3, s2  }
0x8d: {  	s2 =	sadd.s32 s2, s17  }
0x8e: {  	[smem:$0x3FB9] =	sst s2  }
0x8f: {  	_ = 	snop  }
0x90: {  	s2 =	sld [smem:$0x3FC7]  }
0x91: {  	s18 =	sld [smem:$0x3FD0];
	(tm) =	ssettm $0x1  }
0x92: {  	s4 =	sld [smem:$0x3FFB];
	_ =	sdelay $0x3  }
0x93: {  	_ =	strace s4  }
0x94: {  	s4 =	sld [smem:$0x3FFC];
	_ =	sdelay $0x3  }
0x95: {  	_ =	strace s4  }
0x96: {  	s4 =	sld [smem:$0x3FFD];
	_ =	sdelay $0x3  }
0x97: {  	_ =	strace s4  }
0x98: {  	_ =	strace $0x8FFFFFFF  }
0x99: {  	s19 =	sld [smem:$0x3FDB];
	_ =	sdelay $0x1  }
0x9a: {  	s5 =	simm.s32 $_scs_section_size  }
0x9b: {  	s6 =	simm.s32 $_size__tile_overlayer_lowered;
	s7 =	simm.s32 $_tile_overlayer_lowered  }
0x9c: {  	s22 =	simm.s32 $0x1BFF;
	s21 =	sshll.u32 s7, $0x1;
	s4 =	sadd.s32 s5, s19  }
0x9d: {  	s8 =	simm.s32 $0x0;
	s20 =	sshll.u32 s6, $0x1;
	s6 =	sadd.s32 s21, s4  }
0x9e: {  	[timem:s8], [sflag:s22] =	dma.local [hbm:s6], s20  }
0x9f: {  	_ =	swait.ge [sflag:s22], s20  }
0xa0: {  	s5 =	ssub.s32 $0x0, s20;
	[sflag:s22] =	ssyncset.done $0x0  }
0xa1: {  	[sflag:s22] =	ssyncadd.s32 s5;
	_ =	sdelay $0x1  }
0xa2: {  	s23 =	simm.s32 $0x1B8B  }
0xa3: {  	_ =	swait.ge [sflag:s23], $0x1  }
0xa4: {  	[sflag:s23] =	ssyncset.done $0x0  }
0xa5: {  	s25 =	simm.s32 $0x1B8E;
	s24 =	sld [smem:$0x3FFE];
	[sflag:s23] =	ssyncadd.s32 $0xFFFFFFFF  }
0xa6: {  	s26 =	simm.s32 $execute0_lowered;
	[smem:$0x3FD2] =	sst s25  }
0xa7: {  	s6 =	sshll.u32 s26, $0x1;
	_ =	strace $0x80000046;
	[dreg:$0x1] =	wrdreg $0xFFFFFFFF  }
0xa8: {  	s28 =	simm.s32 $_size_execute0_lowered;
	s4 =	sadd.s32 s4, s6;
	[dreg:$0x0] =	wrdreg $0x0  }
0xa9: {  	s6 =	sshll.u32 s28, $0x1;
	[dreg:$0x2] =	wrdreg s4  }
0xaa: {  	[dreg:$0x3] =	wrdreg s6  }
0xab: {  	[dreg:$0x4] =	wrdreg $0xC0  }
0xac: {  	_ =	task [dreg:s8], $0x5FFFF  }
0xad: {  	[dreg:$0x1] =	wrdreg $0xFFFFFFFF  }
0xae: {  	[dreg:$0x0] =	wrdreg $0x60  }
0xaf: {  	[dreg:$0x2] =	wrdreg s18  }
0xb0: {  	[dreg:$0x3] =	wrdreg s2  }
0xb1: {  	[dreg:$0x4] =	wrdreg s24  }
0xb2: {  	[dreg:$0x5] =	wrdreg $0x9  }
0xb3: {  	_ =	task.clear_ibuf [dreg:s8], $0x6FFFF;
	_ =	strace $0x90000046  }
0xb4: {  	s29 =	simm.s32 $0x9;
	_ =	strace $0x80000048  }
0xb5: {  	_ =	swait.ge [sflag:s29], $0x1  }
0xb6: {  	[sflag:s29] =	ssyncadd.s32 $0xFFFFFFFF  }
0xb7: {  	_ =	strace $0x90000048  }
0xb8: {  	_ =	sfence  }
0xb9: {  	s30 =	sld [smem:$0x0];
	_ =	sdelay $0x2  }
0xba: {  	s31 =	sshll.u32 s1, $0xD;
	s1 =	sshrl.u32 s1, $0x2  }
0xbb: {  	s3 =	sand.u32 $0x4000, s31;
	s1 =	sadd.s32 s1, s30  }
0xbc: {  	s0 =	sor.u32 s3, s0;
	s1 =	sshll.u32 s1, $0x11  }
0xbd: {  	s0 =	sor.u32 s1, s0  }
0xbe: {  	s0 =	sadd.s32 $0x8F2B, s0  }
0xbf: {  	[sflag:s0] =	ssyncadd.remote.s32 $0x1  }
0xc0: {  	_ =	sfence.sel $0xFFFF  }
0xc1: {  	[dreg:$0x0] =	wrdreg $0xFFFFFFFF;
	(pc) =	sbr.abs _section_cstart, $3  }
0xc2: {  	[dreg:$0x1] =	wrdreg $0xFFFFFFFF  }
0xc3: {  	_ =	task.clear_ibuf [dreg:s8], $0x2FFFF;
	_ =	strace $0x9FFFFFFF  }
0xc4: {  	(tm) =	ssettm $0x7FFFFFFF  }
0xc5: {  	_ =	shalt  }
tec
execute0_lowered:
.L_overlay_start_1:
0x0: {  	(tag) =	ssettag $0x1  }
0x1: {  	s4 =	rddreg [dreg:$0x0];
	s1 =	srdreg.scid  }
0x2: {  	s2 =	rddreg [dreg:$0x1];
	s0 =	stileid.u32;
	s11 =	sand.u32 $0x1, s1  }
0x3: {  	s10 =	rddreg [dreg:$0x2];
	s5 =	sshll.u32 s0, $0xA;
	s6 =	sshll.u32 s11, $0x9  }
0x4: {  	s3 =	simm.s32 $0x0;
	s1 =	rddreg [dreg:$0x3];
	s12 =	sor.u32 s6, s5  }
0x5: {  	[smem:$0x7FF] =	sst s3;
	s5 =	sshrl.u32 s12, $0x3  }
0x6: {  	_ =	strace $0x80000047;
	s5 =	sadd.s32 s4, s5;
	s4 =	simm.s32 $0x3  }
0x7: {  	[tilespmem:s3], [sflag:$0x3] =	stream.linear.gather [hbm4b:s5+s3], $0x200, $0x38;
	[tilespmem:$0x10200] =	vst v63  }
0x8: {  	_ =	swait.ge [sflag:s4], $0x200  }
0x9: {  	[sflag:s4] =	ssyncset.done $0x0  }
0xa: {  	s7 =	simm.s32 $0x200;
	s6 =	simm.s32 $0x100;
	[sflag:s4] =	ssyncadd.s32 $0xFFFFFE00  }
0xb: {  	[tilespmem:s7], [sflag:$0x1] =	stream.indirect.gather [hbm4b:s2+s6], $0x80, s3, s6, $0xb8;
	[tilespmem:$0x10200] =	vst v63  }
0xc: {  	s8 =	simm.s32 $0x8200;
	s9 =	simm.s32 $0x1  }
0xd: {  	[tilespmem:s8], [sflag:$0x2] =	stream.indirect.gather [hbm4b:s2+s6], $0x80, s6, s6, $0xb8;
	[tilespmem:$0x10200] =	vst v63  }
0xe: {  	s12 =	sshll.u32 s12, $0x4;
	_ =	swait.ge [sflag:s9], $0x8000  }
0xf: {  	s12 =	sadd.s32 s12, s10;
	[sflag:s9] =	ssyncset.done $0x0  }
0x10: {  	s13 =	ssub.s32 $0x2, s11;
	s10 =	sadd.s32 $0x2200, s12;
	[sflag:s9] =	ssyncadd.s32 $0xFFFF8000  }
0x11: {  	[hbm4b:s10+s3] =	stream.linear.scatter [tilespmem:s7], [sflag:$0x3], $0x8000, $0x38;
	[tilespmem:$0x10200] =	vst v63  }
0x12: {  	s14 =	sshrl.u32 s13, $0x1;
	_ =	swait.ge [sflag:s4], $0x8000  }
0x13: {  	s13 =	ssub.s32 s13, s14;
	[sflag:s4] =	ssyncset.done $0x0  }
0x14: {  	s11 =	simm.s32 $0x2;
	s13 =	smax.u32 s13, $0x1;
	[sflag:s4] =	ssyncadd.s32 $0xFFFF8000  }
0x15: {  	p0 =	sne.s32 s13, $0x1;
	_ =	swait.ge [sflag:s11], $0x8000  }
.Ltmp0:
0x16: {  	[sflag:s11] =	ssyncset.done $0x0;
	(pc) =	sbr.rel @!p0 .LBB2_2-.Ltmp0, $4  }
0x17: {  	s12 =	sadd.s32 $0x3200, s12;
	[sflag:s11] =	ssyncadd.s32 $0xFFFF8000  }
0x18: {  	[hbm4b:s12+s3] =	stream.linear.scatter [tilespmem:s8], [sflag:$0x3], $0x8000, $0x38;
	[tilespmem:$0x10200] =	vst v63  }
0x19: {  	_ =	swait.ge [sflag:s4], $0x8000  }
0x1a: {  	s13 =	sadd.s32 $0xFFFFFFFF, s13;
	[sflag:s4] =	ssyncset.done $0x0  }
.LBB2_1:
0x1b: {  	p0 =	sne.s32 s13, $0x1;
	s13 =	sadd.s32 $0xFFFFFFFF, s13;
	[sflag:s4] =	ssyncadd.s32 $0xFFFF8000  }
0x1c: {  	[tilespmem:s3], [sflag:$0x3] =	stream.linear.gather [hbm4b:s5+s3], $0x200, $0x38;
	[tilespmem:$0x10200] =	vst v63  }
0x1d: {  	_ =	swait.ge [sflag:s4], $0x200  }
0x1e: {  	[sflag:s4] =	ssyncset.done $0x0  }
0x1f: {  	[sflag:s4] =	ssyncadd.s32 $0xFFFFFE00  }
0x20: {  	[tilespmem:s7], [sflag:$0x1] =	stream.indirect.gather [hbm4b:s2+s6], $0x80, s3, s6, $0xb8;
	[tilespmem:$0x10200] =	vst v63  }
0x21: {  	_ = 	snop  }
0x22: {  	[tilespmem:s8], [sflag:$0x2] =	stream.indirect.gather [hbm4b:s2+s6], $0x80, s6, s6, $0xb8;
	[tilespmem:$0x10200] =	vst v63  }
0x23: {  	_ =	swait.ge [sflag:s9], $0x8000  }
0x24: {  	[sflag:s9] =	ssyncset.done $0x0  }
0x25: {  	[sflag:s9] =	ssyncadd.s32 $0xFFFF8000  }
0x26: {  	[hbm4b:s10+s3] =	stream.linear.scatter [tilespmem:s7], [sflag:$0x3], $0x8000, $0x38;
	[tilespmem:$0x10200] =	vst v63  }
0x27: {  	_ =	swait.ge [sflag:s4], $0x8000  }
0x28: {  	[sflag:s4] =	ssyncset.done $0x0  }
0x29: {  	[sflag:s4] =	ssyncadd.s32 $0xFFFF8000  }
0x2a: {  	_ =	swait.ge [sflag:s11], $0x8000  }
.Ltmp1:
0x2b: {  	[sflag:s11] =	ssyncset.done $0x0;
	(pc) =	sbr.rel @p0 .LBB2_1-.Ltmp1, $4  }
0x2c: {  	[sflag:s11] =	ssyncadd.s32 $0xFFFF8000  }
0x2d: {  	[hbm4b:s12+s3] =	stream.linear.scatter [tilespmem:s8], [sflag:$0x3], $0x8000, $0x38;
	[tilespmem:$0x10200] =	vst v63  }
0x2e: {  	_ =	swait.ge [sflag:s4], $0x8000  }
0x2f: {  	[sflag:s4] =	ssyncset.done $0x0  }
.LBB2_2:
0x30: {  	[sflag:s4] =	ssyncadd.s32 $0xFFFF8000  }
0x31: {  	_ =	sfence.sel $0x180000  }
0x32: {  	[bflag:$0x0] =	sbarrier.arrive $0xFFFF  }
0x33: {  	p0 =	sne.s32 s0, $0x0;
	_ =	strace $0x90000047  }
0x34: {  	s0 =	sadd.s32 @!p0 $0x100000, s1;
	[bflag:$0x2] =	sbarrier.arrive $0xFFFF  }
0x35: {  	[sflag:s0] =	ssyncadd.tile.s32 @!p0 $0x1;
	_ =	shalt  }
.Lfunc_end2:
_tile_overlayer_lowered:
.L_overlay_start_2:
0x36: {  	(tag) =	ssettag $0x2  }
0x37: {  	s0 =	rddreg [dreg:$0x0];
	s2 =	stileid.u32  }
0x38: {  	s1 =	rddreg [dreg:$0x1];
	p0 =	sne.s32 s2, $0x0  }
0x39: {  	s3 =	rddreg [dreg:$0x2];
	[bflag:$0x3] =	sbarrier.arrive $0xFFFF;
	s2 =	simm.s32 @!p0 $0x1C03  }
0x3a: {  	[timem:s3], [sflag:s2] =	dma.local @!p0 [hbm:s0], s1  }
0x3b: {  	s0 =	simm.s32 @!p0 $0x3  }
0x3c: {  	_ =	swait.ge @!p0 [sflag:s0], s1  }
0x3d: {  	s1 =	ssub.s32 @!p0 $0x0, s1;
	[sflag:s0] =	ssyncset.done @!p0 $0x0  }
0x3e: {  	[sflag:s0] =	ssyncadd.s32 @!p0 s1  }
0x3f: {  	[bflag:$0x3] =	sbarrier.arrive $0xFFFF  }
0x40: {  	_ =	shalt  }

</sc_bundles>
